<compile_context>
chip_gen: v7x
topology: tpu7x:2x2x1
jax: 0.10.2.dev20260603
libtpu: 0.0.44.dev20260713+nightly
codegen_flags: <defaults>
</compile_context>

<pallas_src>
import functools

import jax
import jax.numpy as jnp
from jax import lax
from jax.experimental import pallas as pl
from jax.experimental.pallas import tpu as pltpu
from jax.experimental.pallas import tpu_sc as plsc

_EMB = 128
_WIN = 64
_LANES = 16
_REGS_PER_ROW = _EMB // _LANES
_CH = 128
_NB = 4
_LEAD = 2


def _run(flat_idx, token_table, pos_table):
    N = flat_idx.shape[0]
    V, D = token_table.shape

    info = plsc.get_sparse_core_info()
    NC, NS = info.num_cores, info.num_subcores
    NW = NC * NS
    n_per_w = N // NW
    n_ch = n_per_w // _CH
    rounds = n_ch // _NB

    mesh = plsc.VectorSubcoreMesh(core_axis_name="c", subcore_axis_name="s")

    @functools.partial(
        pl.kernel,
        mesh=mesh,
        out_type=jax.ShapeDtypeStruct((N, D), jnp.float32),
        scratch_types=(
            [pltpu.VMEM((n_per_w,), jnp.int32),
             pltpu.VMEM((_WIN, D), jnp.float32),
             pltpu.VMEM_SHARED((V, D), jnp.float32)]
            + [pltpu.VMEM((_CH, D), jnp.float32) for _ in range(_NB)]
            + [pltpu.SemaphoreType.DMA for _ in range(2 * _NB)]
        ),
    )
    def k(idx_hbm, tok_hbm, pos_hbm, out_hbm, idx_all, pos_v, tab_sh,
          *bufs_and_sems):
        rows = list(bufs_and_sems[:_NB])
        gsem = list(bufs_and_sems[_NB:2 * _NB])
        osem = list(bufs_and_sems[2 * _NB:])

        sid = lax.axis_index("s")
        wid = sid * NC + lax.axis_index("c")
        base = wid * n_per_w
        v_per_s = V // NS
        pltpu.sync_copy(tok_hbm.at[pl.ds(sid * v_per_s, v_per_s)],
                        tab_sh.at[pl.ds(sid * v_per_s, v_per_s)])
        pltpu.sync_copy(pos_hbm, pos_v)
        pltpu.sync_copy(idx_hbm.at[pl.ds(base, n_per_w)], idx_all)
        plsc.subcore_barrier()

        def gather_copy(lci, b):
            src = tab_sh.at[idx_all.at[pl.ds(lci * _CH, _CH)]]
            return pltpu.make_async_copy(src, rows[b], gsem[b])

        def out_copy(lci, b):
            return pltpu.make_async_copy(
                rows[b], out_hbm.at[pl.ds(base + lci * _CH, _CH)], osem[b])


        def round_body(i, _):
            for b in range(_NB):
                lci = i * _NB + b
                rows_b = rows[b]

                out_copy(lci, b).start()

                bn = (b + _LEAD) % _NB
                cond = (i >= 1) if b < _LEAD else (i < rounds - 1)

                @pl.when(cond)
                def _():
                    out_copy(lci + _LEAD - _NB, bn).wait()

            return 0

        lax.fori_loop(0, rounds, round_body, 0)
        for b in range(_NB):
            out_copy((rounds - 1) * _NB + b, b).wait()

    return k(flat_idx, token_table, pos_table)


def kernel(input, token_table, pos_table):
    B, W = input.shape
    D = token_table.shape[1]
    flat_idx = input.reshape(B * W).astype(jnp.int32)
    out = _run(flat_idx, token_table, pos_table)
    return out.reshape(B, W, D)

# --- scband reference (transcript-rebuilt; emitter-appended) ---
"""Pipeline reference for scband-embedder-24395414241813 (READ-ONLY COPY).

The authoritative reference and input builder live on the scoring server;
editing this copy changes nothing except your own understanding.
"""

import jax, jax.numpy as jnp
import numpy as np

EMBEDDING_SIZE = 128
WINDOW_SIZE = 64
VOCAB = 4096
BATCH = 4096

def setup_inputs(seed: int = 0) -> dict:
    key = jax.random.key(seed)
    k1, k2, k3 = jax.random.split(key, 3)
    input_ids = jax.random.randint(k1, (BATCH, WINDOW_SIZE), 0, VOCAB, dtype=jnp.int64 if jax.config.jax_enable_x64 else jnp.int32)
    token_table = jax.random.normal(k2, (VOCAB, EMBEDDING_SIZE), dtype=jnp.float32) * 0.05
    pos_table = jax.random.normal(k3, (WINDOW_SIZE, EMBEDDING_SIZE), dtype=jnp.float32) * 0.05
    return {"input": input_ids, "token_table": token_table, "pos_table": pos_table}

def reference(input, token_table, pos_table):
    positions = jnp.arange(0, WINDOW_SIZE)
    embedded_seq = jnp.take(token_table, input, axis=0)          # [B, W, D]
    embedded_pos = jnp.take(pos_table, positions, axis=0)        # [W, D]
    result = embedded_seq + embedded_pos[None, :, :]
    return result

if __name__ == "__main__":
    import jax
    _d = setup_inputs()
    print(jax.jit(kernel)(*tuple(_d.values())))

</pallas_src>

<mosaic_0001>
#map = affine_map<(d0, d1) -> (0)>
#map1 = affine_map<(d0, d1) -> (0, 0)>
module attributes {stable_mosaic.version = 14 : i64} {
  func.func @k(%arg0: i32, %arg1: i32, %arg2: memref<262144xi32, #tpu.memory_space<hbm>>, %arg3: memref<4096x128xf32, #tpu.memory_space<hbm>>, %arg4: memref<64x128xf32, #tpu.memory_space<hbm>>, %arg5: memref<262144x128xf32, #tpu.memory_space<hbm>>, %arg6: memref<8192xi32, #tpu.memory_space<vmem>>, %arg7: memref<64x128xf32, #tpu.memory_space<vmem>>, %arg8: memref<4096x128xf32, #tpu.memory_space<vmem_shared>>, %arg9: memref<128x128xf32, #tpu.memory_space<vmem>>, %arg10: memref<128x128xf32, #tpu.memory_space<vmem>>, %arg11: memref<128x128xf32, #tpu.memory_space<vmem>>, %arg12: memref<128x128xf32, #tpu.memory_space<vmem>>, %arg13: memref<!tpu.dma_semaphore, #tpu.memory_space<semaphore_mem>>, %arg14: memref<!tpu.dma_semaphore, #tpu.memory_space<semaphore_mem>>, %arg15: memref<!tpu.dma_semaphore, #tpu.memory_space<semaphore_mem>>, %arg16: memref<!tpu.dma_semaphore, #tpu.memory_space<semaphore_mem>>, %arg17: memref<!tpu.dma_semaphore, #tpu.memory_space<semaphore_mem>>, %arg18: memref<!tpu.dma_semaphore, #tpu.memory_space<semaphore_mem>>, %arg19: memref<!tpu.dma_semaphore, #tpu.memory_space<semaphore_mem>>, %arg20: memref<!tpu.dma_semaphore, #tpu.memory_space<semaphore_mem>>) attributes {dimension_semantics = [#tpu.dimension_semantics<core_parallel>, #tpu.dimension_semantics<subcore_parallel>], iteration_bounds = array<i64: 2, 16>, scalar_prefetch = 0 : i64, scratch_operands = 15 : i64, tpu.core_type = #tpu.core_type<sc_vector_subcore>, window_params = [{transform_indices = #map}, {transform_indices = #map1}, {transform_indices = #map1}, {transform_indices = #map1}]} {
    %mul3A = arith.constant 2 : i32
    %mul3A_0 = arith.muli %arg1, %mul3A : i32
    %add3A = arith.addi %mul3A_0, %arg0 : i32
    %mul3A_1 = arith.constant 8192 : i32
    %mul3A_2 = arith.muli %add3A, %mul3A_1 : i32
    %mul3A_3 = arith.constant 256 : i32
    %mul3A_4 = arith.muli %arg1, %mul3A_3 : i32
    %mul3A_5 = arith.constant 256 : i32
    %mul3A_6 = arith.muli %arg1, %mul3A_5 : i32
    "tpu.region"() ({
      %run_scoped3A = tpu.sem_alloc : memref<!tpu.dma_semaphore, #tpu.memory_space<semaphore_mem>>
      %dma_start3A = arith.constant 0 : i32
      %dma_start3A_36 = tpu.memref_slice %arg8[%mul3A_6, %dma_start3A] : memref<4096x128xf32, #tpu.memory_space<vmem_shared>> -> memref<256x128xf32, #tpu.memory_space<vmem_shared>>
      %dma_start3A_37 = arith.constant 0 : i32
      %dma_start3A_38 = tpu.memref_slice %arg3[%mul3A_4, %dma_start3A_37] : memref<4096x128xf32, #tpu.memory_space<hbm>> -> memref<256x128xf32, #tpu.memory_space<hbm>>
      tpu.enqueue_dma source(%dma_start3A_38 : memref<256x128xf32, #tpu.memory_space<hbm>>) target(%dma_start3A_36 : memref<256x128xf32, #tpu.memory_space<vmem_shared>>) target_semaphore(%run_scoped3A : memref<!tpu.dma_semaphore, #tpu.memory_space<semaphore_mem>>)
      %dma_wait3A_39 = arith.constant 0 : i32
      %dma_wait3A_40 = tpu.memref_slice %arg8[%mul3A_6, %dma_wait3A_39] : memref<4096x128xf32, #tpu.memory_space<vmem_shared>> -> memref<256x128xf32, #tpu.memory_space<vmem_shared>>
      %dma_wait3A_41 = arith.constant 0 : i32
      %dma_wait3A_42 = tpu.memref_slice %arg3[%mul3A_4, %dma_wait3A_41] : memref<4096x128xf32, #tpu.memory_space<hbm>> -> memref<256x128xf32, #tpu.memory_space<hbm>>
      tpu.wait_dma2 semaphore(%run_scoped3A : memref<!tpu.dma_semaphore, #tpu.memory_space<semaphore_mem>>) src(%dma_wait3A_42 : memref<256x128xf32, #tpu.memory_space<hbm>>) dst(%dma_wait3A_40 : memref<256x128xf32, #tpu.memory_space<vmem_shared>>)
      tpu.yield
    }) : () -> ()
    "tpu.region"() ({
      %run_scoped3A = tpu.sem_alloc : memref<!tpu.dma_semaphore, #tpu.memory_space<semaphore_mem>>
      tpu.enqueue_dma source(%arg4 : memref<64x128xf32, #tpu.memory_space<hbm>>) target(%arg7 : memref<64x128xf32, #tpu.memory_space<vmem>>) target_semaphore(%run_scoped3A : memref<!tpu.dma_semaphore, #tpu.memory_space<semaphore_mem>>)
      tpu.wait_dma2 semaphore(%run_scoped3A : memref<!tpu.dma_semaphore, #tpu.memory_space<semaphore_mem>>) src(%arg4 : memref<64x128xf32, #tpu.memory_space<hbm>>) dst(%arg7 : memref<64x128xf32, #tpu.memory_space<vmem>>)
      tpu.yield
    }) : () -> ()
    "tpu.region"() ({
      %run_scoped3A = tpu.sem_alloc : memref<!tpu.dma_semaphore, #tpu.memory_space<semaphore_mem>>
      %dma_start3A = tpu.memref_slice %arg2[%mul3A_2] : memref<262144xi32, #tpu.memory_space<hbm>> -> memref<8192xi32, #tpu.memory_space<hbm>>
      %dma_start3A_36 = tpu.memref_slice %arg2[%mul3A_2] : memref<262144xi32, #tpu.memory_space<hbm>> -> memref<8192xi32, #tpu.memory_space<hbm>>
      tpu.enqueue_dma source(%dma_start3A_36 : memref<8192xi32, #tpu.memory_space<hbm>>) target(%arg6 : memref<8192xi32, #tpu.memory_space<vmem>>) target_semaphore(%run_scoped3A : memref<!tpu.dma_semaphore, #tpu.memory_space<semaphore_mem>>)
      %dma_wait3A_37 = tpu.memref_slice %arg2[%mul3A_2] : memref<262144xi32, #tpu.memory_space<hbm>> -> memref<8192xi32, #tpu.memory_space<hbm>>
      %dma_wait3A_38 = tpu.memref_slice %arg2[%mul3A_2] : memref<262144xi32, #tpu.memory_space<hbm>> -> memref<8192xi32, #tpu.memory_space<hbm>>
      tpu.wait_dma2 semaphore(%run_scoped3A : memref<!tpu.dma_semaphore, #tpu.memory_space<semaphore_mem>>) src(%dma_wait3A_38 : memref<8192xi32, #tpu.memory_space<hbm>>) dst(%arg6 : memref<8192xi32, #tpu.memory_space<vmem>>)
      tpu.yield
    }) : () -> ()
    %barrier3A = arith.constant 0 : index
    tpu.barrier barrier_id(%barrier3A)
    %scan3A = arith.constant 0 : i32
    %scan3A_7 = arith.constant 0 : i32
    %scan3A_8 = arith.constant 16 : i32
    %scan3A_9 = arith.addi %scan3A_7, %scan3A_8 : i32
    %scan3A_10 = arith.constant 1 : i32
    %scan3A_11 = scf.for %scan3A_36 = %scan3A_7 to %scan3A_9 step %scan3A_10 iter_args(%scan3A_37 = %scan3A) -> (i32)  : i32 {
      %mul3A_38 = arith.constant 4 : i32
      %mul3A_39 = arith.muli %scan3A_36, %mul3A_38 : i32
      %add3A_40 = arith.constant 0 : i32
      %add3A_41 = arith.addi %mul3A_39, %add3A_40 : i32
      %mul3A_42 = arith.constant 128 : i32
      %mul3A_43 = arith.muli %add3A_41, %mul3A_42 : i32
      %add3A_44 = arith.addi %mul3A_2, %mul3A_43 : i32
      %dma_start3A = arith.constant 0 : i32
      %dma_start3A_45 = tpu.memref_slice %arg5[%add3A_44, %dma_start3A] : memref<262144x128xf32, #tpu.memory_space<hbm>> -> memref<128x128xf32, #tpu.memory_space<hbm>>
      %dma_start3A_46 = arith.constant 0 : i32
      %dma_start3A_47 = tpu.memref_slice %arg5[%add3A_44, %dma_start3A_46] : memref<262144x128xf32, #tpu.memory_space<hbm>> -> memref<128x128xf32, #tpu.memory_space<hbm>>
      tpu.enqueue_dma source(%arg9 : memref<128x128xf32, #tpu.memory_space<vmem>>) target(%dma_start3A_47 : memref<128x128xf32, #tpu.memory_space<hbm>>) target_semaphore(%arg17 : memref<!tpu.dma_semaphore, #tpu.memory_space<semaphore_mem>>)
      %ge3A = arith.constant 1 : i32
      %ge3A_48 = arith.cmpi sge, %scan3A_36, %ge3A : i32
      %convert_element_type3A = arith.extui %ge3A_48 : i1 to i32
      %cond3A = arith.constant 0 : i32
      %cond3A_49 = arith.cmpi ne, %convert_element_type3A, %cond3A : i32
      scf.if %cond3A_49 {
        %add3A_98 = arith.constant 2 : i32
        %add3A_99 = arith.addi %add3A_41, %add3A_98 : i32
        %sub3A = arith.constant 4 : i32
        %sub3A_100 = arith.subi %add3A_99, %sub3A : i32
        %mul3A_101 = arith.constant 128 : i32
        %mul3A_102 = arith.muli %sub3A_100, %mul3A_101 : i32
        %add3A_103 = arith.addi %mul3A_2, %mul3A_102 : i32
        %dma_wait3A_104 = arith.constant 0 : i32
        %dma_wait3A_105 = tpu.memref_slice %arg5[%add3A_103, %dma_wait3A_104] : memref<262144x128xf32, #tpu.memory_space<hbm>> -> memref<128x128xf32, #tpu.memory_space<hbm>>
        %dma_wait3A_106 = arith.constant 0 : i32
        %dma_wait3A_107 = tpu.memref_slice %arg5[%add3A_103, %dma_wait3A_106] : memref<262144x128xf32, #tpu.memory_space<hbm>> -> memref<128x128xf32, #tpu.memory_space<hbm>>
        tpu.wait_dma2 semaphore(%arg19 : memref<!tpu.dma_semaphore, #tpu.memory_space<semaphore_mem>>) src(%arg11 : memref<128x128xf32, #tpu.memory_space<vmem>>) dst(%dma_wait3A_107 : memref<128x128xf32, #tpu.memory_space<hbm>>)
      } else {
      }
      %mul3A_50 = arith.constant 4 : i32
      %mul3A_51 = arith.muli %scan3A_36, %mul3A_50 : i32
      %add3A_52 = arith.constant 1 : i32
      %add3A_53 = arith.addi %mul3A_51, %add3A_52 : i32
      %mul3A_54 = arith.constant 128 : i32
      %mul3A_55 = arith.muli %add3A_53, %mul3A_54 : i32
      %add3A_56 = arith.addi %mul3A_2, %mul3A_55 : i32
      %dma_start3A_57 = arith.constant 0 : i32
      %dma_start3A_58 = tpu.memref_slice %arg5[%add3A_56, %dma_start3A_57] : memref<262144x128xf32, #tpu.memory_space<hbm>> -> memref<128x128xf32, #tpu.memory_space<hbm>>
      %dma_start3A_59 = arith.constant 0 : i32
      %dma_start3A_60 = tpu.memref_slice %arg5[%add3A_56, %dma_start3A_59] : memref<262144x128xf32, #tpu.memory_space<hbm>> -> memref<128x128xf32, #tpu.memory_space<hbm>>
      tpu.enqueue_dma source(%arg10 : memref<128x128xf32, #tpu.memory_space<vmem>>) target(%dma_start3A_60 : memref<128x128xf32, #tpu.memory_space<hbm>>) target_semaphore(%arg18 : memref<!tpu.dma_semaphore, #tpu.memory_space<semaphore_mem>>)
      %ge3A_61 = arith.constant 1 : i32
      %ge3A_62 = arith.cmpi sge, %scan3A_36, %ge3A_61 : i32
      %convert_element_type3A_63 = arith.extui %ge3A_62 : i1 to i32
      %cond3A_64 = arith.constant 0 : i32
      %cond3A_65 = arith.cmpi ne, %convert_element_type3A_63, %cond3A_64 : i32
      scf.if %cond3A_65 {
        %add3A_98 = arith.constant 2 : i32
        %add3A_99 = arith.addi %add3A_53, %add3A_98 : i32
        %sub3A = arith.constant 4 : i32
        %sub3A_100 = arith.subi %add3A_99, %sub3A : i32
        %mul3A_101 = arith.constant 128 : i32
        %mul3A_102 = arith.muli %sub3A_100, %mul3A_101 : i32
        %add3A_103 = arith.addi %mul3A_2, %mul3A_102 : i32
        %dma_wait3A_104 = arith.constant 0 : i32
        %dma_wait3A_105 = tpu.memref_slice %arg5[%add3A_103, %dma_wait3A_104] : memref<262144x128xf32, #tpu.memory_space<hbm>> -> memref<128x128xf32, #tpu.memory_space<hbm>>
        %dma_wait3A_106 = arith.constant 0 : i32
        %dma_wait3A_107 = tpu.memref_slice %arg5[%add3A_103, %dma_wait3A_106] : memref<262144x128xf32, #tpu.memory_space<hbm>> -> memref<128x128xf32, #tpu.memory_space<hbm>>
        tpu.wait_dma2 semaphore(%arg20 : memref<!tpu.dma_semaphore, #tpu.memory_space<semaphore_mem>>) src(%arg12 : memref<128x128xf32, #tpu.memory_space<vmem>>) dst(%dma_wait3A_107 : memref<128x128xf32, #tpu.memory_space<hbm>>)
      } else {
      }
      %mul3A_66 = arith.constant 4 : i32
      %mul3A_67 = arith.muli %scan3A_36, %mul3A_66 : i32
      %add3A_68 = arith.constant 2 : i32
      %add3A_69 = arith.addi %mul3A_67, %add3A_68 : i32
      %mul3A_70 = arith.constant 128 : i32
      %mul3A_71 = arith.muli %add3A_69, %mul3A_70 : i32
      %add3A_72 = arith.addi %mul3A_2, %mul3A_71 : i32
      %dma_start3A_73 = arith.constant 0 : i32
      %dma_start3A_74 = tpu.memref_slice %arg5[%add3A_72, %dma_start3A_73] : memref<262144x128xf32, #tpu.memory_space<hbm>> -> memref<128x128xf32, #tpu.memory_space<hbm>>
      %dma_start3A_75 = arith.constant 0 : i32
      %dma_start3A_76 = tpu.memref_slice %arg5[%add3A_72, %dma_start3A_75] : memref<262144x128xf32, #tpu.memory_space<hbm>> -> memref<128x128xf32, #tpu.memory_space<hbm>>
      tpu.enqueue_dma source(%arg11 : memref<128x128xf32, #tpu.memory_space<vmem>>) target(%dma_start3A_76 : memref<128x128xf32, #tpu.memory_space<hbm>>) target_semaphore(%arg19 : memref<!tpu.dma_semaphore, #tpu.memory_space<semaphore_mem>>)
      %lt3A = arith.constant 15 : i32
      %lt3A_77 = arith.cmpi slt, %scan3A_36, %lt3A : i32
      %convert_element_type3A_78 = arith.extui %lt3A_77 : i1 to i32
      %cond3A_79 = arith.constant 0 : i32
      %cond3A_80 = arith.cmpi ne, %convert_element_type3A_78, %cond3A_79 : i32
      scf.if %cond3A_80 {
        %add3A_98 = arith.constant 2 : i32
        %add3A_99 = arith.addi %add3A_69, %add3A_98 : i32
        %sub3A = arith.constant 4 : i32
        %sub3A_100 = arith.subi %add3A_99, %sub3A : i32
        %mul3A_101 = arith.constant 128 : i32
        %mul3A_102 = arith.muli %sub3A_100, %mul3A_101 : i32
        %add3A_103 = arith.addi %mul3A_2, %mul3A_102 : i32
        %dma_wait3A_104 = arith.constant 0 : i32
        %dma_wait3A_105 = tpu.memref_slice %arg5[%add3A_103, %dma_wait3A_104] : memref<262144x128xf32, #tpu.memory_space<hbm>> -> memref<128x128xf32, #tpu.memory_space<hbm>>
        %dma_wait3A_106 = arith.constant 0 : i32
        %dma_wait3A_107 = tpu.memref_slice %arg5[%add3A_103, %dma_wait3A_106] : memref<262144x128xf32, #tpu.memory_space<hbm>> -> memref<128x128xf32, #tpu.memory_space<hbm>>
        tpu.wait_dma2 semaphore(%arg17 : memref<!tpu.dma_semaphore, #tpu.memory_space<semaphore_mem>>) src(%arg9 : memref<128x128xf32, #tpu.memory_space<vmem>>) dst(%dma_wait3A_107 : memref<128x128xf32, #tpu.memory_space<hbm>>)
      } else {
      }
      %mul3A_81 = arith.constant 4 : i32
      %mul3A_82 = arith.muli %scan3A_36, %mul3A_81 : i32
      %add3A_83 = arith.constant 3 : i32
      %add3A_84 = arith.addi %mul3A_82, %add3A_83 : i32
      %mul3A_85 = arith.constant 128 : i32
      %mul3A_86 = arith.muli %add3A_84, %mul3A_85 : i32
      %add3A_87 = arith.addi %mul3A_2, %mul3A_86 : i32
      %dma_start3A_88 = arith.constant 0 : i32
      %dma_start3A_89 = tpu.memref_slice %arg5[%add3A_87, %dma_start3A_88] : memref<262144x128xf32, #tpu.memory_space<hbm>> -> memref<128x128xf32, #tpu.memory_space<hbm>>
      %dma_start3A_90 = arith.constant 0 : i32
      %dma_start3A_91 = tpu.memref_slice %arg5[%add3A_87, %dma_start3A_90] : memref<262144x128xf32, #tpu.memory_space<hbm>> -> memref<128x128xf32, #tpu.memory_space<hbm>>
      tpu.enqueue_dma source(%arg12 : memref<128x128xf32, #tpu.memory_space<vmem>>) target(%dma_start3A_91 : memref<128x128xf32, #tpu.memory_space<hbm>>) target_semaphore(%arg20 : memref<!tpu.dma_semaphore, #tpu.memory_space<semaphore_mem>>)
      %lt3A_92 = arith.constant 15 : i32
      %lt3A_93 = arith.cmpi slt, %scan3A_36, %lt3A_92 : i32
      %convert_element_type3A_94 = arith.extui %lt3A_93 : i1 to i32
      %cond3A_95 = arith.constant 0 : i32
      %cond3A_96 = arith.cmpi ne, %convert_element_type3A_94, %cond3A_95 : i32
      scf.if %cond3A_96 {
        %add3A_98 = arith.constant 2 : i32
        %add3A_99 = arith.addi %add3A_84, %add3A_98 : i32
        %sub3A = arith.constant 4 : i32
        %sub3A_100 = arith.subi %add3A_99, %sub3A : i32
        %mul3A_101 = arith.constant 128 : i32
        %mul3A_102 = arith.muli %sub3A_100, %mul3A_101 : i32
        %add3A_103 = arith.addi %mul3A_2, %mul3A_102 : i32
        %dma_wait3A_104 = arith.constant 0 : i32
        %dma_wait3A_105 = tpu.memref_slice %arg5[%add3A_103, %dma_wait3A_104] : memref<262144x128xf32, #tpu.memory_space<hbm>> -> memref<128x128xf32, #tpu.memory_space<hbm>>
        %dma_wait3A_106 = arith.constant 0 : i32
        %dma_wait3A_107 = tpu.memref_slice %arg5[%add3A_103, %dma_wait3A_106] : memref<262144x128xf32, #tpu.memory_space<hbm>> -> memref<128x128xf32, #tpu.memory_space<hbm>>
        tpu.wait_dma2 semaphore(%arg18 : memref<!tpu.dma_semaphore, #tpu.memory_space<semaphore_mem>>) src(%arg10 : memref<128x128xf32, #tpu.memory_space<vmem>>) dst(%dma_wait3A_107 : memref<128x128xf32, #tpu.memory_space<hbm>>)
      } else {
      }
      %scan3A_97 = arith.constant 0 : i32
      scf.yield %scan3A_97 : i32
    }
    %scan3A_12 = arith.constant 16 : i32
    %add3A_13 = arith.constant 7680 : i32
    %add3A_14 = arith.addi %mul3A_2, %add3A_13 : i32
    %dma_wait3A = arith.constant 0 : i32
    %dma_wait3A_15 = tpu.memref_slice %arg5[%add3A_14, %dma_wait3A] : memref<262144x128xf32, #tpu.memory_space<hbm>> -> memref<128x128xf32, #tpu.memory_space<hbm>>
    %dma_wait3A_16 = arith.constant 0 : i32
    %dma_wait3A_17 = tpu.memref_slice %arg5[%add3A_14, %dma_wait3A_16] : memref<262144x128xf32, #tpu.memory_space<hbm>> -> memref<128x128xf32, #tpu.memory_space<hbm>>
    tpu.wait_dma2 semaphore(%arg17 : memref<!tpu.dma_semaphore, #tpu.memory_space<semaphore_mem>>) src(%arg9 : memref<128x128xf32, #tpu.memory_space<vmem>>) dst(%dma_wait3A_17 : memref<128x128xf32, #tpu.memory_space<hbm>>)
    %add3A_18 = arith.constant 7808 : i32
    %add3A_19 = arith.addi %mul3A_2, %add3A_18 : i32
    %dma_wait3A_20 = arith.constant 0 : i32
    %dma_wait3A_21 = tpu.memref_slice %arg5[%add3A_19, %dma_wait3A_20] : memref<262144x128xf32, #tpu.memory_space<hbm>> -> memref<128x128xf32, #tpu.memory_space<hbm>>
    %dma_wait3A_22 = arith.constant 0 : i32
    %dma_wait3A_23 = tpu.memref_slice %arg5[%add3A_19, %dma_wait3A_22] : memref<262144x128xf32, #tpu.memory_space<hbm>> -> memref<128x128xf32, #tpu.memory_space<hbm>>
    tpu.wait_dma2 semaphore(%arg18 : memref<!tpu.dma_semaphore, #tpu.memory_space<semaphore_mem>>) src(%arg10 : memref<128x128xf32, #tpu.memory_space<vmem>>) dst(%dma_wait3A_23 : memref<128x128xf32, #tpu.memory_space<hbm>>)
    %add3A_24 = arith.constant 7936 : i32
    %add3A_25 = arith.addi %mul3A_2, %add3A_24 : i32
    %dma_wait3A_26 = arith.constant 0 : i32
    %dma_wait3A_27 = tpu.memref_slice %arg5[%add3A_25, %dma_wait3A_26] : memref<262144x128xf32, #tpu.memory_space<hbm>> -> memref<128x128xf32, #tpu.memory_space<hbm>>
    %dma_wait3A_28 = arith.constant 0 : i32
    %dma_wait3A_29 = tpu.memref_slice %arg5[%add3A_25, %dma_wait3A_28] : memref<262144x128xf32, #tpu.memory_space<hbm>> -> memref<128x128xf32, #tpu.memory_space<hbm>>
    tpu.wait_dma2 semaphore(%arg19 : memref<!tpu.dma_semaphore, #tpu.memory_space<semaphore_mem>>) src(%arg11 : memref<128x128xf32, #tpu.memory_space<vmem>>) dst(%dma_wait3A_29 : memref<128x128xf32, #tpu.memory_space<hbm>>)
    %add3A_30 = arith.constant 8064 : i32
    %add3A_31 = arith.addi %mul3A_2, %add3A_30 : i32
    %dma_wait3A_32 = arith.constant 0 : i32
    %dma_wait3A_33 = tpu.memref_slice %arg5[%add3A_31, %dma_wait3A_32] : memref<262144x128xf32, #tpu.memory_space<hbm>> -> memref<128x128xf32, #tpu.memory_space<hbm>>
    %dma_wait3A_34 = arith.constant 0 : i32
    %dma_wait3A_35 = tpu.memref_slice %arg5[%add3A_31, %dma_wait3A_34] : memref<262144x128xf32, #tpu.memory_space<hbm>> -> memref<128x128xf32, #tpu.memory_space<hbm>>
    tpu.wait_dma2 semaphore(%arg20 : memref<!tpu.dma_semaphore, #tpu.memory_space<semaphore_mem>>) src(%arg12 : memref<128x128xf32, #tpu.memory_space<vmem>>) dst(%dma_wait3A_35 : memref<128x128xf32, #tpu.memory_space<hbm>>)
    return
  }
}

</mosaic_0001>

<sc_bundles>
// kernel: kernel.3.cloned.1.call-start
scs
__scs_entry_jumppad:
0x0: {  	(pc) =	sbr.rel $0x88, $3  }
0x1: {  	(tag) =	ssettag $0x0;
	lr =	simm.s32 $0x1  }
0x2: {  	[smem:$0x3F9E] =	sst lr;
	_ =	strace $0xD0000000  }
0x3: {  	_ = 	snop  }
0x4: {  	_ = 	snop  }
0x5: {  	_ = 	snop  }
0x6: {  	_ = 	snop  }
0x7: {  	_ = 	snop  }
__scs_overlays_trampoline_lowered:
0x8: {  	[smem:$0x3FAD] =	sst s0  }
0x9: {  	[smem:$0x3FAE] =	sst s1  }
0xa: {  	[smem:$0x3FAF] =	sst s2  }
0xb: {  	[smem:$0x3FB0] =	sst s3  }
0xc: {  	[smem:$0x3FB1] =	sst s4  }
0xd: {  	[smem:$0x3FB2] =	sst s5  }
0xe: {  	[smem:$0x3FB3] =	sst s6  }
0xf: {  	[smem:$0x3FB4] =	sst s7  }
0x10: {  	[smem:$0x3FB5] =	sst s8  }
0x11: {  	[smem:$0x3FB6] =	sst s9;
	s0 =	simm.s32 @!p0 $0x0  }
0x12: {  	s1 =	sld [smem:$0x3F9C];
	s0 =	simm.s32 @p0 $0x1  }
0x13: {  	[smem:$0x3FB7] =	sst s0;
	s0 =	simm.s32 @!p1 $0x0  }
0x14: {  	s2 =	sld [smem:$0x3F9B];
	s0 =	simm.s32 @p1 $0x1  }
0x15: {  	[smem:$0x3FB8] =	sst s0;
	s0 =	simm.s32 @!p2 $0x0  }
0x16: {  	s3 =	sld [smem:$0x3FDB];
	s0 =	simm.s32 @p2 $0x1  }
0x17: {  	s4 =	simm.s32 $0x1BF5;
	[smem:$0x3FBA] =	sst s0  }
0x18: {  	s0 =	sld [smem:$0x3F9D];
	_ =	swait.ge [sflag:s4], $0x0  }
0x19: {  	s7 =	sld [smem:$0x3F9E]  }
0x1a: {  	s8 =	sadd.s32 $0xFFFFE003, lr  }
0x1b: {  	s9 =	sadd.s32 $0xFFFFFEF7, lr;
	s5 =	simm.s32 $0xFFFFFFFF;
	p2 =	slt.u32 s8, $0xFFFFF086  }
0x1c: {  	p1 =	slt.u32 s9, $0xF7A;
	s5 =	simm.s32 @!p2 $0x0  }
0x1d: {  	s5 =	simm.s32 @p1 $0x1;
	p0 =	seq.s32 s7, s2  }
0x1e: {  	s7 =	smul.u32 @!p0 $0xF7A, s2;
	p2 =	seq.s32 @!p0 s5, $0x0  }
0x1f: {  	s9 =	smul.u32 $0xF7A, s1;
	s8 =	simm.s32 @!p0 $0x1BF5;
	p2 =	por !p2, p0  }
0x20: {  	[sflag:s8] =	ssyncset.s32 @!p0 $0xFFFFF086;
	s6 =	sadd.s32 @!p0 s3, s7;
	s7 =	simm.s32 @!p0 $0x108  }
0x21: {  	s3 =	sadd.s32 s3, s9;
	s6 =	sadd.s32 @!p0 $0x88, s6;
	s7 =	simm.s32 @p2 $0x1082  }
0x22: {  	[simem:s7], [sflag:s8] =	dma.local @!p0 [hbm:s6], $0xF7A  }
0x23: {  	s9 =	sor.u32 $0xD0000000, s2;
	s6 =	simm.s32 $0x108;
	_ =	swait.ge @!p0 [sflag:s8], $0x0  }
0x24: {  	s3 =	sadd.s32 $0x88, s3;
	s6 =	simm.s32 @!p1 $0x1082;
	[sflag:s4] =	ssyncset.s32 $0xFFFFF086  }
0x25: {  	[simem:s6], [sflag:s4] =	dma.local [hbm:s3], $0xF7A  }
0x26: {  	[smem:$0x3F9E] =	sst s1;
	(tag) =	ssettag s2;
	_ =	strace s9  }
0x27: {  	s1 =	sld [smem:$0x3FAE]  }
0x28: {  	s2 =	sld [smem:$0x3FAF]  }
0x29: {  	s4 =	sld [smem:$0x3FB1]  }
0x2a: {  	p0 =	seq.s32 s5, $0x0;
	s5 =	sld [smem:$0x3FB2]  }
0x2b: {  	s6 =	sld [smem:$0x3FB3]  }
0x2c: {  	s7 =	sld [smem:$0x3FB4]  }
0x2d: {  	s3 =	simm.s32 $0x108;
	s8 =	sld [smem:$0x3FB5]  }
0x2e: {  	s3 =	simm.s32 @!p0 $0x1082;
	s9 =	sld [smem:$0x3FB6]  }
0x2f: {  	lr =	sadd.s32 s0, s3;
	s0 =	sld [smem:$0x3FAD]  }
0x30: {  	s3 =	sld [smem:$0x3FB0]  }
0x31: {  	[smem:$0x3FB9] =	sst s10  }
0x32: {  	s10 =	sld [smem:$0x3FB7];
	_ =	sdelay $0x3  }
0x33: {  	p0 =	seq.s32 s10, $0x1;
	s10 =	sld [smem:$0x3FB9];
	_ =	sdelay $0x3  }
0x34: {  	[smem:$0x3FB9] =	sst s10  }
0x35: {  	s10 =	sld [smem:$0x3FB8];
	_ =	sdelay $0x3  }
0x36: {  	p1 =	seq.s32 s10, $0x1;
	s10 =	sld [smem:$0x3FB9];
	_ =	sdelay $0x3  }
0x37: {  	[smem:$0x3FB9] =	sst s10  }
0x38: {  	s10 =	sld [smem:$0x3FBA]  }
0x39: {  	_ = 	snop;
	(pc) =	sbr.ind lr, $3  }
0x3a: {  	_ = 	snop  }
0x3b: {  	_ = 	snop  }
0x3c: {  	p2 =	seq.s32 s10, $0x1;
	s10 =	sld [smem:$0x3FB9]  }
0x3d: {  	_ =	shalt  }
0x3e: {  	_ =	shalt  }
0x3f: {  	_ =	shalt  }
0x40: {  	_ =	shalt  }
0x41: {  	_ =	shalt  }
0x42: {  	_ =	shalt  }
0x43: {  	_ =	shalt  }
0x44: {  	_ =	shalt  }
0x45: {  	_ =	shalt  }
0x46: {  	_ =	shalt  }
0x47: {  	_ =	shalt  }
0x48: {  	_ =	shalt  }
0x49: {  	_ =	shalt  }
0x4a: {  	_ =	shalt  }
0x4b: {  	_ =	shalt  }
0x4c: {  	_ =	shalt  }
0x4d: {  	_ =	shalt  }
0x4e: {  	_ =	shalt  }
0x4f: {  	_ =	shalt  }
0x50: {  	_ =	shalt  }
0x51: {  	_ =	shalt  }
0x52: {  	_ =	shalt  }
0x53: {  	_ =	shalt  }
0x54: {  	_ =	shalt  }
0x55: {  	_ =	shalt  }
0x56: {  	_ =	shalt  }
0x57: {  	_ =	shalt  }
0x58: {  	_ =	shalt  }
0x59: {  	_ =	shalt  }
0x5a: {  	_ =	shalt  }
0x5b: {  	_ =	shalt  }
0x5c: {  	_ =	shalt  }
0x5d: {  	_ =	shalt  }
0x5e: {  	_ =	shalt  }
0x5f: {  	_ =	shalt  }
0x60: {  	_ =	shalt  }
0x61: {  	_ =	shalt  }
0x62: {  	_ =	shalt  }
0x63: {  	_ =	shalt  }
0x64: {  	_ =	shalt  }
0x65: {  	_ =	shalt  }
0x66: {  	_ =	shalt  }
0x67: {  	_ =	shalt  }
0x68: {  	_ =	shalt  }
0x69: {  	_ =	shalt  }
0x6a: {  	_ =	shalt  }
0x6b: {  	_ =	shalt  }
0x6c: {  	_ =	shalt  }
0x6d: {  	_ =	shalt  }
0x6e: {  	_ =	shalt  }
0x6f: {  	_ =	shalt  }
0x70: {  	_ =	shalt  }
0x71: {  	_ =	shalt  }
0x72: {  	_ =	shalt  }
0x73: {  	_ =	shalt  }
0x74: {  	_ =	shalt  }
0x75: {  	_ =	shalt  }
0x76: {  	_ =	shalt  }
0x77: {  	_ =	shalt  }
0x78: {  	_ =	shalt  }
0x79: {  	_ =	shalt  }
0x7a: {  	_ =	shalt  }
0x7b: {  	_ =	shalt  }
0x7c: {  	_ =	shalt  }
0x7d: {  	_ =	shalt  }
0x7e: {  	_ =	shalt  }
0x7f: {  	_ =	shalt  }
0x80: {  	_ =	shalt  }
0x81: {  	_ =	shalt  }
0x82: {  	_ =	shalt  }
0x83: {  	_ =	shalt  }
0x84: {  	_ =	shalt  }
0x85: {  	_ =	shalt  }
0x86: {  	_ =	shalt  }
0x87: {  	_ =	shalt  }
.Lfunc_end0:
.L_simem_size_0:
called_computation_lowered:
.L_overlay_start_0:
0x88: {  	s2 =	sld [smem:$0x3FD9]  }
0x89: {  	s3 =	sld [smem:$0x3FFE];
	_ =	sdelay $0x1  }
0x8a: {  	s1 =	srdreg.scid  }
0x8b: {  	s0 =	sand.u32 $0x1, s1  }
0x8c: {  	s17 =	sshll.u32 s0, $0xA;
	s2 =	sadd.s32 s3, s2  }
0x8d: {  	s2 =	sadd.s32 s2, s17  }
0x8e: {  	[smem:$0x3FC5] =	sst s2  }
0x8f: {  	_ = 	snop  }
0x90: {  	s2 =	sld [smem:$0x3FC8]  }
0x91: {  	s18 =	sld [smem:$0x3FC7]  }
0x92: {  	s4 =	sld [smem:$0x3FD0];
	(tm) =	ssettm $0x1  }
0x93: {  	s5 =	sld [smem:$0x3FFB];
	_ =	sdelay $0x3  }
0x94: {  	_ =	strace s5  }
0x95: {  	s5 =	sld [smem:$0x3FFC];
	_ =	sdelay $0x3  }
0x96: {  	_ =	strace s5  }
0x97: {  	s5 =	sld [smem:$0x3FFD];
	_ =	sdelay $0x3  }
0x98: {  	_ =	strace s5  }
0x99: {  	_ =	strace $0x8FFFFFFF  }
0x9a: {  	s19 =	sld [smem:$0x3FDB];
	_ =	sdelay $0x1  }
0x9b: {  	s6 =	simm.s32 $_scs_section_size  }
0x9c: {  	s7 =	simm.s32 $_size__tile_overlayer_lowered;
	s8 =	simm.s32 $_tile_overlayer_lowered  }
0x9d: {  	s22 =	simm.s32 $0x1BFF;
	s21 =	sshll.u32 s8, $0x1;
	s5 =	sadd.s32 s6, s19  }
0x9e: {  	s9 =	simm.s32 $0x0;
	s20 =	sshll.u32 s7, $0x1;
	s7 =	sadd.s32 s21, s5  }
0x9f: {  	[timem:s9], [sflag:s22] =	dma.local [hbm:s7], s20  }
0xa0: {  	_ =	swait.ge [sflag:s22], s20  }
0xa1: {  	s6 =	ssub.s32 $0x0, s20;
	[sflag:s22] =	ssyncset.done $0x0  }
0xa2: {  	[sflag:s22] =	ssyncadd.s32 s6;
	_ =	sdelay $0x1  }
0xa3: {  	s23 =	simm.s32 $0x1B8B  }
0xa4: {  	_ =	swait.ge [sflag:s23], $0x1  }
0xa5: {  	[sflag:s23] =	ssyncset.done $0x0  }
0xa6: {  	s25 =	simm.s32 $0x1B8E;
	s24 =	sld [smem:$0x3FFE];
	[sflag:s23] =	ssyncadd.s32 $0xFFFFFFFF  }
0xa7: {  	s26 =	simm.s32 $execute0_lowered;
	[smem:$0x3FD2] =	sst s25  }
0xa8: {  	s7 =	sshll.u32 s26, $0x1;
	_ =	strace $0x80000046;
	[dreg:$0x1] =	wrdreg $0xFFFFFFFF  }
0xa9: {  	s28 =	simm.s32 $_size_execute0_lowered;
	s5 =	sadd.s32 s5, s7;
	[dreg:$0x0] =	wrdreg $0x0  }
0xaa: {  	s7 =	sshll.u32 s28, $0x1;
	[dreg:$0x2] =	wrdreg s5  }
0xab: {  	[dreg:$0x3] =	wrdreg s7  }
0xac: {  	[dreg:$0x4] =	wrdreg $0xC0  }
0xad: {  	_ =	task [dreg:s9], $0x5FFFF  }
0xae: {  	[dreg:$0x1] =	wrdreg $0xFFFFFFFF  }
0xaf: {  	[dreg:$0x0] =	wrdreg $0x60  }
0xb0: {  	[dreg:$0x2] =	wrdreg s24  }
0xb1: {  	[dreg:$0x3] =	wrdreg s2  }
0xb2: {  	[dreg:$0x4] =	wrdreg s18  }
0xb3: {  	[dreg:$0x5] =	wrdreg s4  }
0xb4: {  	[dreg:$0x6] =	wrdreg $0x40000  }
0xb5: {  	[dreg:$0x7] =	wrdreg $0x9  }
0xb6: {  	_ =	task.clear_ibuf [dreg:s9], $0x8FFFF;
	_ =	strace $0x90000046  }
0xb7: {  	s29 =	simm.s32 $0x9;
	_ =	strace $0x80000048  }
0xb8: {  	_ =	swait.ge [sflag:s29], $0x1  }
0xb9: {  	[sflag:s29] =	ssyncadd.s32 $0xFFFFFFFF  }
0xba: {  	_ =	strace $0x90000048  }
0xbb: {  	_ =	sfence  }
0xbc: {  	s30 =	sld [smem:$0x0];
	_ =	sdelay $0x2  }
0xbd: {  	s31 =	sshll.u32 s1, $0xD;
	s1 =	sshrl.u32 s1, $0x2  }
0xbe: {  	s3 =	sand.u32 $0x4000, s31;
	s1 =	sadd.s32 s1, s30  }
0xbf: {  	s0 =	sor.u32 s3, s0;
	s1 =	sshll.u32 s1, $0x11  }
0xc0: {  	s0 =	sor.u32 s1, s0  }
0xc1: {  	s0 =	sadd.s32 $0x8F2B, s0  }
0xc2: {  	[sflag:s0] =	ssyncadd.remote.s32 $0x1  }
0xc3: {  	_ =	sfence.sel $0xFFFF  }
0xc4: {  	[dreg:$0x0] =	wrdreg $0xFFFFFFFF;
	(pc) =	sbr.abs _section_cstart, $3  }
0xc5: {  	[dreg:$0x1] =	wrdreg $0xFFFFFFFF  }
0xc6: {  	_ =	task.clear_ibuf [dreg:s9], $0x2FFFF;
	_ =	strace $0x9FFFFFFF  }
0xc7: {  	(tm) =	ssettm $0x7FFFFFFF  }
tec
execute0_lowered:
.L_overlay_start_1:
0x0: {  	(tag) =	ssettag $0x1  }
0x1: {  	s4 =	rddreg [dreg:$0x0]  }
0x2: {  	s5 =	rddreg [dreg:$0x1]  }
0x3: {  	s1 =	rddreg [dreg:$0x2]  }
0x4: {  	s11 =	rddreg [dreg:$0x3]  }
0x5: {  	s6 =	rddreg [dreg:$0x4];
	s3 =	srdreg.scid  }
0x6: {  	s0 =	rddreg [dreg:$0x5];
	s2 =	stileid.u32;
	s16 =	simm.s32 $0x2000  }
0x7: {  	s17 =	simm.s32 $0xC000;
	s18 =	simm.s32 $0x10000;
	s19 =	simm.s32 $0x14000  }
0x8: {  	s20 =	simm.s32 $0x1;
	s21 =	simm.s32 $0x18000;
	s22 =	simm.s32 $0x2  }
0x9: {  	s23 =	simm.s32 $0x3;
	s24 =	simm.s32 $0x4;
	s25 =	simm.s32 $0x0  }
0xa: {  	s12 =	sand.u32 $0x1, s3;
	s3 =	simm.s32 $0x0;
	s7 =	sshll.u32 s2, $0xE  }
0xb: {  	s10 =	sshll.u32 s2, $0xF;
	s28 =	sshll.u32 s2, $0xC;
	s29 =	sshll.u32 s2, $0x6  }
0xc: {  	s15 =	sshll.u32 s2, $0x12;
	s8 =	sshll.u32 s12, $0xD;
	[smem:$0x7FF] =	sst s3  }
0xd: {  	s9 =	ssub.s32 $0x2, s12;
	s14 =	sadd.s32 s10, s6;
	s30 =	sadd.s32 s15, s11  }
0xe: {  	s31 =	sshll.u32 s12, $0x11;
	s15 =	simm.s32 $0x5;
	s7 =	sor.u32 s8, s7  }
0xf: {  	_ =	strace $0x80000047;
	s26 =	sshrl.u32 s9, $0x1;
	s14 =	sshrl.u32 s14, $0x3  }
.Ltmp0:
0x10: {  	s8 =	sshrl.u32 s7, $0x3;
	s13 =	ssub.s32 s9, s26;
	(pc) =	sbr.rel .LBB2_1-.Ltmp0, $4  }
0x11: {  	s7 =	sshll.u32 s7, $0x4;
	s8 =	sadd.s32 s8, s4;
	s4 =	sadd.s32 s5, s28  }
0x12: {  	s5 =	sor.u32 $0x1C05, s29;
	s7 =	sadd.s32 s11, s7;
	s10 =	smax.u32 s13, $0x1  }
0x13: {  	s13 =	sadd.s32 s31, s30;
	s6 =	sadd.s32 $0x400, s8;
	s8 =	sadd.s32 $0x800, s7  }
0x14: {  	s9 =	sadd.s32 $0x1F800, s7;
	s11 =	sadd.s32 $0x1000, s7;
	s12 =	sadd.s32 $0x1800, s7  }
.LBB2_4:
0x15: {  	[hbm4b:s9+s3] =	stream.linear.scatter [tilespmem:s21], [sflag:$0x4], $0x4000, $0x38;
	[tilespmem:$0x1C000] =	vst v63  }
0x16: {  	_ =	swait.ge [sflag:s20], $0x4000  }
0x17: {  	[sflag:s20] =	ssyncset.done $0x0  }
0x18: {  	[sflag:s20] =	ssyncadd.s32 $0xFFFFC000  }
0x19: {  	_ =	swait.ge [sflag:s22], $0x4000  }
0x1a: {  	[sflag:s22] =	ssyncset.done $0x0  }
0x1b: {  	s25 =	sadd.s32 $0x1, s25;
	[sflag:s22] =	ssyncadd.s32 $0xFFFFC000  }
0x1c: {  	p0 =	sne.s32 s25, s10;
	_ =	swait.ge [sflag:s23], $0x4000  }
.Ltmp1:
0x1d: {  	[sflag:s23] =	ssyncset.done $0x0;
	(pc) =	sbr.rel @!p0 .LBB2_5-.Ltmp1, $4  }
0x1e: {  	[sflag:s23] =	ssyncadd.s32 $0xFFFFC000  }
0x1f: {  	_ =	swait.ge [sflag:s24], $0x4000  }
0x20: {  	[sflag:s24] =	ssyncset.done $0x0  }
0x21: {  	[sflag:s24] =	ssyncadd.s32 $0xFFFFC000  }
.LBB2_1:
0x22: {  	[spmem:s14], [sflag:s5] =	dma.local [hbm:s4], $0x1000  }
0x23: {  	_ =	swait.ge [sflag:s15], $0x1000  }
0x24: {  	[sflag:s15] =	ssyncset.done $0x0  }
0x25: {  	[sflag:s15] =	ssyncadd.s32 $0xFFFFF000  }
0x26: {  	[tilespmem:s16], [sflag:$0x5] =	stream.linear.gather [hbm4b:s1+s3], $0x2000, $0x38;
	[tilespmem:$0x1C000] =	vst v63  }
0x27: {  	_ =	swait.ge [sflag:s15], $0x2000  }
0x28: {  	[sflag:s15] =	ssyncset.done $0x0  }
0x29: {  	[sflag:s15] =	ssyncadd.s32 $0xFFFFE000  }
0x2a: {  	[tilespmem:s3], [sflag:$0x5] =	stream.linear.gather [hbm4b:s6+s3], $0x2000, $0x38;
	[tilespmem:$0x1C000] =	vst v63  }
0x2b: {  	_ =	swait.ge [sflag:s15], $0x2000  }
0x2c: {  	[sflag:s15] =	ssyncset.done $0x0  }
0x2d: {  	[sflag:s15] =	ssyncadd.s32 $0xFFFFE000  }
0x2e: {  	[bflag:$0x0] =	sbarrier.arrive $0xFFFF  }
0x2f: {  	[hbm4b:s7+s3] =	stream.linear.scatter [tilespmem:s17], [sflag:$0x1], $0x4000, $0x38;
	[tilespmem:$0x1C000] =	vst v63  }
0x30: {  	_ = 	snop  }
0x31: {  	[hbm4b:s8+s3] =	stream.linear.scatter [tilespmem:s18], [sflag:$0x2], $0x4000, $0x38;
	[tilespmem:$0x1C000] =	vst v63  }
0x32: {  	_ = 	snop  }
0x33: {  	[hbm4b:s11+s3] =	stream.linear.scatter [tilespmem:s19], [sflag:$0x3], $0x4000, $0x38;
	[tilespmem:$0x1C000] =	vst v63  }
0x34: {  	_ =	swait.ge [sflag:s20], $0x4000  }
0x35: {  	[sflag:s20] =	ssyncset.done $0x0  }
0x36: {  	[sflag:s20] =	ssyncadd.s32 $0xFFFFC000  }
0x37: {  	[hbm4b:s12+s3] =	stream.linear.scatter [tilespmem:s21], [sflag:$0x4], $0x4000, $0x38;
	[tilespmem:$0x1C000] =	vst v63  }
0x38: {  	_ =	swait.ge [sflag:s22], $0x4000  }
0x39: {  	[sflag:s22] =	ssyncset.done $0x0  }
0x3a: {  	s26 =	simm.s32 $0x0;
	[sflag:s22] =	ssyncadd.s32 $0xFFFFC000  }
.LBB2_2:
0x3b: {  	s28 =	sadd.s32 s26, s13  }
0x3c: {  	s29 =	sadd.s32 $0x2000, s28  }
0x3d: {  	[hbm4b:s29+s3] =	stream.linear.scatter [tilespmem:s17], [sflag:$0x1], $0x4000, $0x38;
	[tilespmem:$0x1C000] =	vst v63  }
0x3e: {  	_ =	swait.ge [sflag:s23], $0x4000  }
0x3f: {  	[sflag:s23] =	ssyncset.done $0x0  }
0x40: {  	p0 =	seq.s32 s26, $0x1C000;
	s30 =	sadd.s32 $0x2800, s28;
	[sflag:s23] =	ssyncadd.s32 $0xFFFFC000  }
0x41: {  	[hbm4b:s30+s3] =	stream.linear.scatter [tilespmem:s18], [sflag:$0x2], $0x4000, $0x38;
	[tilespmem:$0x1C000] =	vst v63  }
.Ltmp2:
0x42: {  	_ = 	snop;
	(pc) =	sbr.rel @p0 .LBB2_4-.Ltmp2, $4  }
0x43: {  	_ =	swait.ge [sflag:s24], $0x4000  }
0x44: {  	[sflag:s24] =	ssyncset.done $0x0  }
0x45: {  	s31 =	sadd.s32 $0x3000, s28;
	[sflag:s24] =	ssyncadd.s32 $0xFFFFC000  }
0x46: {  	[hbm4b:s31+s3] =	stream.linear.scatter [tilespmem:s19], [sflag:$0x3], $0x4000, $0x38;
	[tilespmem:$0x1C000] =	vst v63  }
0x47: {  	_ =	swait.ge [sflag:s20], $0x4000  }
0x48: {  	[sflag:s20] =	ssyncset.done $0x0  }
.Ltmp3:
0x49: {  	s28 =	sadd.s32 $0x3800, s28;
	[sflag:s20] =	ssyncadd.s32 $0xFFFFC000;
	(pc) =	sbr.rel .LBB2_2-.Ltmp3, $4  }
0x4a: {  	[hbm4b:s28+s3] =	stream.linear.scatter [tilespmem:s21], [sflag:$0x4], $0x4000, $0x38;
	[tilespmem:$0x1C000] =	vst v63  }
0x4b: {  	_ =	swait.ge [sflag:s22], $0x4000  }
0x4c: {  	[sflag:s22] =	ssyncset.done $0x0  }
0x4d: {  	s26 =	sadd.s32 $0x2000, s26;
	[sflag:s22] =	ssyncadd.s32 $0xFFFFC000  }
.LBB2_5:
0x4e: {  	_ =	sfence.sel $0x180000  }
0x4f: {  	[bflag:$0x0] =	sbarrier.arrive $0xFFFF  }
0x50: {  	p0 =	sne.s32 s2, $0x0;
	_ =	strace $0x90000047  }
0x51: {  	s0 =	sadd.s32 @!p0 $0x100000, s0;
	[bflag:$0x2] =	sbarrier.arrive $0xFFFF  }
0x52: {  	[sflag:s0] =	ssyncadd.tile.s32 @!p0 $0x1;
	_ =	shalt  }
.Lfunc_end2:
_tile_overlayer_lowered:
.L_overlay_start_2:
0x53: {  	(tag) =	ssettag $0x2  }
0x54: {  	s0 =	rddreg [dreg:$0x0];
	s2 =	stileid.u32  }
0x55: {  	s1 =	rddreg [dreg:$0x1];
	p0 =	sne.s32 s2, $0x0  }
0x56: {  	s3 =	rddreg [dreg:$0x2];
	[bflag:$0x3] =	sbarrier.arrive $0xFFFF;
	s2 =	simm.s32 @!p0 $0x1C05  }
0x57: {  	[timem:s3], [sflag:s2] =	dma.local @!p0 [hbm:s0], s1  }
0x58: {  	s0 =	simm.s32 @!p0 $0x5  }
0x59: {  	_ =	swait.ge @!p0 [sflag:s0], s1  }
0x5a: {  	s1 =	ssub.s32 @!p0 $0x0, s1;
	[sflag:s0] =	ssyncset.done @!p0 $0x0  }
0x5b: {  	[sflag:s0] =	ssyncadd.s32 @!p0 s1  }
0x5c: {  	[bflag:$0x3] =	sbarrier.arrive $0xFFFF  }
0x5d: {  	_ =	shalt  }

</sc_bundles>
